<compile_context>
chip_gen: v7x
topology: tpu7x:2x2x1
jax: 0.10.2.dev20260603
libtpu: 0.0.44.dev20260713+nightly
codegen_flags: <defaults>
</compile_context>

<pallas_src>
import functools

import jax
import jax.numpy as jnp
from jax import lax
from jax.experimental import pallas as pl
from jax.experimental.pallas import tpu as pltpu
from jax.experimental.pallas import tpu_sc as plsc

B = 16384
EMB = 128
EPS = 1e-5

NUM_WORKERS = 32
ROWS_PER_W = B // NUM_WORKERS
CHUNK = 128
NCHUNK = ROWS_PER_W // CHUNK


HALF = ROWS_PER_W // 2


def _sc_gather_body(uidx_hbm, iidx_hbm, utab_hbm, itab_hbm,
                    x_out, uidx_v, iidx_v, rows_a, rows_b, gsem, wsem):
    wid = lax.axis_index("s") * 2 + lax.axis_index("c")
    base = wid * ROWS_PER_W
    pltpu.sync_copy(uidx_hbm.at[pl.ds(base, ROWS_PER_W)], uidx_v)
    pltpu.sync_copy(iidx_hbm.at[pl.ds(base, ROWS_PER_W)], iidx_v)
    gathers = [pltpu.async_copy(
        utab_hbm.at[uidx_v.at[pl.ds(j * CHUNK, CHUNK)]],
        rows_a.at[pl.ds(j * CHUNK, CHUNK)], gsem) for j in range(NCHUNK)]
    for g in gathers:
        g.wait()
    w_a = pltpu.async_copy(
        rows_a, x_out.at[pl.ds(base, ROWS_PER_W), pl.ds(0, EMB)], wsem)
    gathers = [pltpu.async_copy(
        itab_hbm.at[iidx_v.at[pl.ds(j * CHUNK, CHUNK)]],
        rows_b.at[pl.ds(j * CHUNK, CHUNK)], gsem) for j in range(2)]
    for g in gathers:
        g.wait()
    w_a.wait()
    w_b = pltpu.async_copy(
        rows_b, x_out.at[pl.ds(base, HALF), pl.ds(EMB, EMB)], wsem)
    gathers = [pltpu.async_copy(
        itab_hbm.at[iidx_v.at[pl.ds((2 + j) * CHUNK, CHUNK)]],
        rows_a.at[pl.ds(j * CHUNK, CHUNK)], gsem) for j in range(2)]
    for g in gathers:
        g.wait()
    w_b.wait()
    pltpu.sync_copy(rows_a.at[pl.ds(0, HALF)],
                    x_out.at[pl.ds(base + HALF, HALF), pl.ds(EMB, EMB)])


@functools.cache
def _make_gather():
    return pl.kernel(
        _sc_gather_body,
        mesh=plsc.VectorSubcoreMesh(core_axis_name="c", subcore_axis_name="s"),
        out_type=jax.ShapeDtypeStruct((B, 2 * EMB), jnp.float32),
        scratch_types=[pltpu.VMEM((ROWS_PER_W,), jnp.int32),
                       pltpu.VMEM((ROWS_PER_W,), jnp.int32),
                       pltpu.VMEM((ROWS_PER_W, EMB), jnp.float32),
                       pltpu.VMEM((HALF, EMB), jnp.float32),
                       pltpu.SemaphoreType.DMA,
                       pltpu.SemaphoreType.DMA],
    )


def _bn_fold(x, g, beta):
    mu = jnp.mean(x, axis=0, keepdims=True)
    var = jnp.mean(x * x, axis=0, keepdims=True) - mu * mu
    a = g * lax.rsqrt(var + EPS)
    c = beta - a * mu
    return jnp.maximum(a * x + c, 0.0)


def _mlp_body(x2, W1, b1, g1, beta1, W23, b23, g3, beta3, Wo, bo, out):
    x = jnp.dot(x2[...], W1[...]) + b1[...]
    y = _bn_fold(x, g1[...], beta1[...])
    h = jnp.dot(y, W23[...]) + b23[...]
    hh = _bn_fold(h, g3[...], beta3[...])
    out[...] = (jnp.dot(hh, Wo[...]) + bo[...]).reshape(B)


_mlp = pl.pallas_call(
    _mlp_body,
    out_shape=jax.ShapeDtypeStruct((B,), jnp.float32),
)


def _mlp_out_2d(*args):
    return _mlp(*args).reshape(B, 1)


def kernel(user_input, item_input, user_table, item_table,
           uW1, ub1, ug1, ubeta1, uW2, ub2,
           iW1, ib1, ig1, ibeta1, iW2, ib2,
           W3, b3, g3, beta3, Wo, bo):
    uidx = user_input.astype(jnp.int32)
    iidx = item_input.astype(jnp.int32)
    x2 = _make_gather()(uidx, iidx, user_table, item_table)

    W1 = jnp.concatenate(
        [jnp.concatenate([uW1, jnp.zeros_like(uW1)], axis=1),
         jnp.concatenate([jnp.zeros_like(iW1), iW1], axis=1)], axis=0)
    W2 = jnp.concatenate(
        [jnp.concatenate([uW2, jnp.zeros_like(uW2)], axis=1),
         jnp.concatenate([jnp.zeros_like(iW2), iW2], axis=1)], axis=0)
    W23 = W2 @ W3
    b23 = jnp.concatenate([ub2, ib2]) @ W3 + b3
    r = lambda v: v.reshape(1, -1)
    return _mlp_out_2d(x2, W1, r(jnp.concatenate([ub1, ib1])),
                r(jnp.concatenate([ug1, ig1])),
                r(jnp.concatenate([ubeta1, ibeta1])),
                W23, r(b23), r(g3), r(beta3), Wo, r(bo))

# --- scband reference (transcript-rebuilt; emitter-appended) ---
"""Pipeline reference for scband-two-tower-model-25692494364847 (READ-ONLY COPY).

The authoritative reference and input builder live on the scoring server;
editing this copy changes nothing except your own understanding.
"""

import jax, jax.numpy as jnp
import numpy as np

NUM_USERS = 1000000
NUM_ITEMS = 1000000
EMB = 128
B = 16384
EPS = 1e-5

def _bn(x, gamma, beta):
    mu = jnp.mean(x, axis=0)
    var = jnp.var(x, axis=0)
    return gamma * (x - mu) / jnp.sqrt(var + EPS) + beta

def setup_inputs(seed: int = 0) -> dict:
    key = jax.random.key(seed)
    ks = jax.random.split(key, 24)
    inp = {}
    inp["user_input"] = jax.random.randint(ks[0], (B,), 0, NUM_USERS)
    inp["item_input"] = jax.random.randint(ks[1], (B,), 0, NUM_ITEMS)
    inp["user_table"] = jax.random.normal(ks[2], (NUM_USERS, EMB), jnp.float32) * 0.02
    inp["item_table"] = jax.random.normal(ks[3], (NUM_ITEMS, EMB), jnp.float32) * 0.02
    inp["uW1"] = jax.random.normal(ks[4], (EMB, 64), jnp.float32) * 0.05
    inp["ub1"] = jnp.zeros((64,), jnp.float32)
    inp["ug1"] = jnp.ones((64,), jnp.float32)
    inp["ubeta1"] = jnp.zeros((64,), jnp.float32)
    inp["uW2"] = jax.random.normal(ks[5], (64, 32), jnp.float32) * 0.05
    inp["ub2"] = jnp.zeros((32,), jnp.float32)
    inp["iW1"] = jax.random.normal(ks[6], (EMB, 64), jnp.float32) * 0.05
    inp["ib1"] = jnp.zeros((64,), jnp.float32)
    inp["ig1"] = jnp.ones((64,), jnp.float32)
    inp["ibeta1"] = jnp.zeros((64,), jnp.float32)
    inp["iW2"] = jax.random.normal(ks[7], (64, 32), jnp.float32) * 0.05
    inp["ib2"] = jnp.zeros((32,), jnp.float32)
    inp["W3"] = jax.random.normal(ks[8], (64, 32), jnp.float32) * 0.05
    inp["b3"] = jnp.zeros((32,), jnp.float32)
    inp["g3"] = jnp.ones((32,), jnp.float32)
    inp["beta3"] = jnp.zeros((32,), jnp.float32)
    inp["Wo"] = jax.random.normal(ks[9], (32, 1), jnp.float32) * 0.05
    inp["bo"] = jnp.zeros((1,), jnp.float32)
    return inp

def reference(user_input, item_input, user_table, item_table,
              uW1, ub1, ug1, ubeta1, uW2, ub2,
              iW1, ib1, ig1, ibeta1, iW2, ib2,
              W3, b3, g3, beta3, Wo, bo):
    # user tower
    ue = jnp.take(user_table, user_input, axis=0)            # [B, EMB] gather
    u = jax.nn.relu(_bn(ue @ uW1 + ub1, ug1, ubeta1))
    u = u @ uW2 + ub2                                        # [B, 32]
    # item tower
    ie = jnp.take(item_table, item_input, axis=0)            # [B, EMB] gather
    it = jax.nn.relu(_bn(ie @ iW1 + ib1, ig1, ibeta1))
    it = it @ iW2 + ib2                                      # [B, 32]
    # combine
    comb = jnp.concatenate([u, it], axis=1)                  # [B, 64]
    out = jax.nn.relu(_bn(comb @ W3 + b3, g3, beta3))
    out = out @ Wo + bo                                      # [B, 1]
    return out

if __name__ == "__main__":
    import jax
    _d = setup_inputs()
    print(jax.jit(kernel)(*tuple(_d.values())))

</pallas_src>

<mosaic_0001>
#map = affine_map<(d0, d1) -> (0)>
#map1 = affine_map<(d0, d1) -> (0, 0)>
module attributes {stable_mosaic.version = 14 : i64} {
  func.func @_sc_gather_body(%arg0: i32, %arg1: i32, %arg2: memref<16384xi32, #tpu.memory_space<hbm>>, %arg3: memref<16384xi32, #tpu.memory_space<hbm>>, %arg4: memref<1000000x128xf32, #tpu.memory_space<hbm>>, %arg5: memref<1000000x128xf32, #tpu.memory_space<hbm>>, %arg6: memref<16384x256xf32, #tpu.memory_space<hbm>>, %arg7: memref<512xi32, #tpu.memory_space<vmem>>, %arg8: memref<512xi32, #tpu.memory_space<vmem>>, %arg9: memref<512x128xf32, #tpu.memory_space<vmem>>, %arg10: memref<256x128xf32, #tpu.memory_space<vmem>>, %arg11: memref<!tpu.dma_semaphore, #tpu.memory_space<semaphore_mem>>, %arg12: memref<!tpu.dma_semaphore, #tpu.memory_space<semaphore_mem>>) attributes {dimension_semantics = [#tpu.dimension_semantics<core_parallel>, #tpu.dimension_semantics<subcore_parallel>], iteration_bounds = array<i64: 2, 16>, scalar_prefetch = 0 : i64, scratch_operands = 6 : i64, tpu.core_type = #tpu.core_type<sc_vector_subcore>, window_params = [{transform_indices = #map}, {transform_indices = #map}, {transform_indices = #map1}, {transform_indices = #map1}, {transform_indices = #map1}]} {
    %mul3A = arith.constant 2 : i32
    %mul3A_0 = arith.muli %arg1, %mul3A : i32
    %add3A = arith.addi %mul3A_0, %arg0 : i32
    %mul3A_1 = arith.constant 512 : i32
    %mul3A_2 = arith.muli %add3A, %mul3A_1 : i32
    "tpu.region"() ({
      %run_scoped3A = tpu.sem_alloc : memref<!tpu.dma_semaphore, #tpu.memory_space<semaphore_mem>>
      %dma_start3A_147 = tpu.memref_slice %arg2[%mul3A_2] : memref<16384xi32, #tpu.memory_space<hbm>> -> memref<512xi32, #tpu.memory_space<hbm>>
      %dma_start3A_148 = tpu.memref_slice %arg2[%mul3A_2] : memref<16384xi32, #tpu.memory_space<hbm>> -> memref<512xi32, #tpu.memory_space<hbm>>
      tpu.enqueue_dma source(%dma_start3A_148 : memref<512xi32, #tpu.memory_space<hbm>>) target(%arg7 : memref<512xi32, #tpu.memory_space<vmem>>) target_semaphore(%run_scoped3A : memref<!tpu.dma_semaphore, #tpu.memory_space<semaphore_mem>>)
      %dma_wait3A_149 = tpu.memref_slice %arg2[%mul3A_2] : memref<16384xi32, #tpu.memory_space<hbm>> -> memref<512xi32, #tpu.memory_space<hbm>>
      %dma_wait3A_150 = tpu.memref_slice %arg2[%mul3A_2] : memref<16384xi32, #tpu.memory_space<hbm>> -> memref<512xi32, #tpu.memory_space<hbm>>
      tpu.wait_dma2 semaphore(%run_scoped3A : memref<!tpu.dma_semaphore, #tpu.memory_space<semaphore_mem>>) src(%dma_wait3A_150 : memref<512xi32, #tpu.memory_space<hbm>>) dst(%arg7 : memref<512xi32, #tpu.memory_space<vmem>>)
      tpu.yield
    }) : () -> ()
    "tpu.region"() ({
      %run_scoped3A = tpu.sem_alloc : memref<!tpu.dma_semaphore, #tpu.memory_space<semaphore_mem>>
      %dma_start3A_147 = tpu.memref_slice %arg3[%mul3A_2] : memref<16384xi32, #tpu.memory_space<hbm>> -> memref<512xi32, #tpu.memory_space<hbm>>
      %dma_start3A_148 = tpu.memref_slice %arg3[%mul3A_2] : memref<16384xi32, #tpu.memory_space<hbm>> -> memref<512xi32, #tpu.memory_space<hbm>>
      tpu.enqueue_dma source(%dma_start3A_148 : memref<512xi32, #tpu.memory_space<hbm>>) target(%arg8 : memref<512xi32, #tpu.memory_space<vmem>>) target_semaphore(%run_scoped3A : memref<!tpu.dma_semaphore, #tpu.memory_space<semaphore_mem>>)
      %dma_wait3A_149 = tpu.memref_slice %arg3[%mul3A_2] : memref<16384xi32, #tpu.memory_space<hbm>> -> memref<512xi32, #tpu.memory_space<hbm>>
      %dma_wait3A_150 = tpu.memref_slice %arg3[%mul3A_2] : memref<16384xi32, #tpu.memory_space<hbm>> -> memref<512xi32, #tpu.memory_space<hbm>>
      tpu.wait_dma2 semaphore(%run_scoped3A : memref<!tpu.dma_semaphore, #tpu.memory_space<semaphore_mem>>) src(%dma_wait3A_150 : memref<512xi32, #tpu.memory_space<hbm>>) dst(%arg8 : memref<512xi32, #tpu.memory_space<vmem>>)
      tpu.yield
    }) : () -> ()
    %dma_start3A = arith.constant 0 : i32
    %dma_start3A_3 = arith.constant 0 : i32
    %dma_start3A_4 = tpu.memref_slice %arg9[%dma_start3A, %dma_start3A_3] : memref<512x128xf32, #tpu.memory_space<vmem>> -> memref<128x128xf32, #tpu.memory_space<vmem>>
    %dma_start3A_5 = arith.constant 0 : i32
    %dma_start3A_6 = tpu.memref_slice %arg7[%dma_start3A_5] : memref<512xi32, #tpu.memory_space<vmem>> -> memref<128xi32, #tpu.memory_space<vmem>>
    %dma_start3A_7 = arith.constant 0 : i32
    %dma_start3A_8 = arith.constant 0 : i32
    %dma_start3A_9 = tpu.memref_slice %arg4[%dma_start3A_7, %dma_start3A_8] : memref<1000000x128xf32, #tpu.memory_space<hbm>> -> memref<1000000x128xf32, #tpu.memory_space<hbm>>
    tpu.enqueue_indirect_dma source(%dma_start3A_9 : memref<1000000x128xf32, #tpu.memory_space<hbm>>) target(%dma_start3A_4 : memref<128x128xf32, #tpu.memory_space<vmem>>) offsets(%dma_start3A_6 : memref<128xi32, #tpu.memory_space<vmem>>) semaphore(%arg11 : memref<!tpu.dma_semaphore, #tpu.memory_space<semaphore_mem>>)
    %dma_start3A_10 = arith.constant 128 : i32
    %dma_start3A_11 = arith.constant 0 : i32
    %dma_start3A_12 = tpu.memref_slice %arg9[%dma_start3A_10, %dma_start3A_11] : memref<512x128xf32, #tpu.memory_space<vmem>> -> memref<128x128xf32, #tpu.memory_space<vmem>>
    %dma_start3A_13 = arith.constant 128 : i32
    %dma_start3A_14 = tpu.memref_slice %arg7[%dma_start3A_13] : memref<512xi32, #tpu.memory_space<vmem>> -> memref<128xi32, #tpu.memory_space<vmem>>
    %dma_start3A_15 = arith.constant 0 : i32
    %dma_start3A_16 = arith.constant 0 : i32
    %dma_start3A_17 = tpu.memref_slice %arg4[%dma_start3A_15, %dma_start3A_16] : memref<1000000x128xf32, #tpu.memory_space<hbm>> -> memref<1000000x128xf32, #tpu.memory_space<hbm>>
    tpu.enqueue_indirect_dma source(%dma_start3A_17 : memref<1000000x128xf32, #tpu.memory_space<hbm>>) target(%dma_start3A_12 : memref<128x128xf32, #tpu.memory_space<vmem>>) offsets(%dma_start3A_14 : memref<128xi32, #tpu.memory_space<vmem>>) semaphore(%arg11 : memref<!tpu.dma_semaphore, #tpu.memory_space<semaphore_mem>>)
    %dma_start3A_18 = arith.constant 256 : i32
    %dma_start3A_19 = arith.constant 0 : i32
    %dma_start3A_20 = tpu.memref_slice %arg9[%dma_start3A_18, %dma_start3A_19] : memref<512x128xf32, #tpu.memory_space<vmem>> -> memref<128x128xf32, #tpu.memory_space<vmem>>
    %dma_start3A_21 = arith.constant 256 : i32
    %dma_start3A_22 = tpu.memref_slice %arg7[%dma_start3A_21] : memref<512xi32, #tpu.memory_space<vmem>> -> memref<128xi32, #tpu.memory_space<vmem>>
    %dma_start3A_23 = arith.constant 0 : i32
    %dma_start3A_24 = arith.constant 0 : i32
    %dma_start3A_25 = tpu.memref_slice %arg4[%dma_start3A_23, %dma_start3A_24] : memref<1000000x128xf32, #tpu.memory_space<hbm>> -> memref<1000000x128xf32, #tpu.memory_space<hbm>>
    tpu.enqueue_indirect_dma source(%dma_start3A_25 : memref<1000000x128xf32, #tpu.memory_space<hbm>>) target(%dma_start3A_20 : memref<128x128xf32, #tpu.memory_space<vmem>>) offsets(%dma_start3A_22 : memref<128xi32, #tpu.memory_space<vmem>>) semaphore(%arg11 : memref<!tpu.dma_semaphore, #tpu.memory_space<semaphore_mem>>)
    %dma_start3A_26 = arith.constant 384 : i32
    %dma_start3A_27 = arith.constant 0 : i32
    %dma_start3A_28 = tpu.memref_slice %arg9[%dma_start3A_26, %dma_start3A_27] : memref<512x128xf32, #tpu.memory_space<vmem>> -> memref<128x128xf32, #tpu.memory_space<vmem>>
    %dma_start3A_29 = arith.constant 384 : i32
    %dma_start3A_30 = tpu.memref_slice %arg7[%dma_start3A_29] : memref<512xi32, #tpu.memory_space<vmem>> -> memref<128xi32, #tpu.memory_space<vmem>>
    %dma_start3A_31 = arith.constant 0 : i32
    %dma_start3A_32 = arith.constant 0 : i32
    %dma_start3A_33 = tpu.memref_slice %arg4[%dma_start3A_31, %dma_start3A_32] : memref<1000000x128xf32, #tpu.memory_space<hbm>> -> memref<1000000x128xf32, #tpu.memory_space<hbm>>
    tpu.enqueue_indirect_dma source(%dma_start3A_33 : memref<1000000x128xf32, #tpu.memory_space<hbm>>) target(%dma_start3A_28 : memref<128x128xf32, #tpu.memory_space<vmem>>) offsets(%dma_start3A_30 : memref<128xi32, #tpu.memory_space<vmem>>) semaphore(%arg11 : memref<!tpu.dma_semaphore, #tpu.memory_space<semaphore_mem>>)
    %dma_wait3A = arith.constant 0 : i32
    %dma_wait3A_34 = arith.constant 0 : i32
    %dma_wait3A_35 = tpu.memref_slice %arg9[%dma_wait3A, %dma_wait3A_34] : memref<512x128xf32, #tpu.memory_space<vmem>> -> memref<128x128xf32, #tpu.memory_space<vmem>>
    %dma_wait3A_36 = arith.constant 0 : i32
    %dma_wait3A_37 = tpu.memref_slice %arg7[%dma_wait3A_36] : memref<512xi32, #tpu.memory_space<vmem>> -> memref<128xi32, #tpu.memory_space<vmem>>
    %dma_wait3A_38 = arith.constant 0 : i32
    %dma_wait3A_39 = arith.constant 0 : i32
    %dma_wait3A_40 = tpu.memref_slice %arg4[%dma_wait3A_38, %dma_wait3A_39] : memref<1000000x128xf32, #tpu.memory_space<hbm>> -> memref<1000000x128xf32, #tpu.memory_space<hbm>>
    tpu.wait_indirect_dma semaphore(%arg11 : memref<!tpu.dma_semaphore, #tpu.memory_space<semaphore_mem>>) src(%dma_wait3A_40 : memref<1000000x128xf32, #tpu.memory_space<hbm>>) dst(%dma_wait3A_35 : memref<128x128xf32, #tpu.memory_space<vmem>>)
    %dma_wait3A_41 = arith.constant 128 : i32
    %dma_wait3A_42 = arith.constant 0 : i32
    %dma_wait3A_43 = tpu.memref_slice %arg9[%dma_wait3A_41, %dma_wait3A_42] : memref<512x128xf32, #tpu.memory_space<vmem>> -> memref<128x128xf32, #tpu.memory_space<vmem>>
    %dma_wait3A_44 = arith.constant 128 : i32
    %dma_wait3A_45 = tpu.memref_slice %arg7[%dma_wait3A_44] : memref<512xi32, #tpu.memory_space<vmem>> -> memref<128xi32, #tpu.memory_space<vmem>>
    %dma_wait3A_46 = arith.constant 0 : i32
    %dma_wait3A_47 = arith.constant 0 : i32
    %dma_wait3A_48 = tpu.memref_slice %arg4[%dma_wait3A_46, %dma_wait3A_47] : memref<1000000x128xf32, #tpu.memory_space<hbm>> -> memref<1000000x128xf32, #tpu.memory_space<hbm>>
    tpu.wait_indirect_dma semaphore(%arg11 : memref<!tpu.dma_semaphore, #tpu.memory_space<semaphore_mem>>) src(%dma_wait3A_48 : memref<1000000x128xf32, #tpu.memory_space<hbm>>) dst(%dma_wait3A_43 : memref<128x128xf32, #tpu.memory_space<vmem>>)
    %dma_wait3A_49 = arith.constant 256 : i32
    %dma_wait3A_50 = arith.constant 0 : i32
    %dma_wait3A_51 = tpu.memref_slice %arg9[%dma_wait3A_49, %dma_wait3A_50] : memref<512x128xf32, #tpu.memory_space<vmem>> -> memref<128x128xf32, #tpu.memory_space<vmem>>
    %dma_wait3A_52 = arith.constant 256 : i32
    %dma_wait3A_53 = tpu.memref_slice %arg7[%dma_wait3A_52] : memref<512xi32, #tpu.memory_space<vmem>> -> memref<128xi32, #tpu.memory_space<vmem>>
    %dma_wait3A_54 = arith.constant 0 : i32
    %dma_wait3A_55 = arith.constant 0 : i32
    %dma_wait3A_56 = tpu.memref_slice %arg4[%dma_wait3A_54, %dma_wait3A_55] : memref<1000000x128xf32, #tpu.memory_space<hbm>> -> memref<1000000x128xf32, #tpu.memory_space<hbm>>
    tpu.wait_indirect_dma semaphore(%arg11 : memref<!tpu.dma_semaphore, #tpu.memory_space<semaphore_mem>>) src(%dma_wait3A_56 : memref<1000000x128xf32, #tpu.memory_space<hbm>>) dst(%dma_wait3A_51 : memref<128x128xf32, #tpu.memory_space<vmem>>)
    %dma_wait3A_57 = arith.constant 384 : i32
    %dma_wait3A_58 = arith.constant 0 : i32
    %dma_wait3A_59 = tpu.memref_slice %arg9[%dma_wait3A_57, %dma_wait3A_58] : memref<512x128xf32, #tpu.memory_space<vmem>> -> memref<128x128xf32, #tpu.memory_space<vmem>>
    %dma_wait3A_60 = arith.constant 384 : i32
    %dma_wait3A_61 = tpu.memref_slice %arg7[%dma_wait3A_60] : memref<512xi32, #tpu.memory_space<vmem>> -> memref<128xi32, #tpu.memory_space<vmem>>
    %dma_wait3A_62 = arith.constant 0 : i32
    %dma_wait3A_63 = arith.constant 0 : i32
    %dma_wait3A_64 = tpu.memref_slice %arg4[%dma_wait3A_62, %dma_wait3A_63] : memref<1000000x128xf32, #tpu.memory_space<hbm>> -> memref<1000000x128xf32, #tpu.memory_space<hbm>>
    tpu.wait_indirect_dma semaphore(%arg11 : memref<!tpu.dma_semaphore, #tpu.memory_space<semaphore_mem>>) src(%dma_wait3A_64 : memref<1000000x128xf32, #tpu.memory_space<hbm>>) dst(%dma_wait3A_59 : memref<128x128xf32, #tpu.memory_space<vmem>>)
    %dma_start3A_65 = arith.constant 0 : i32
    %dma_start3A_66 = tpu.memref_slice %arg6[%mul3A_2, %dma_start3A_65] : memref<16384x256xf32, #tpu.memory_space<hbm>> -> memref<512x128xf32, #tpu.memory_space<hbm>>
    %dma_start3A_67 = arith.constant 0 : i32
    %dma_start3A_68 = tpu.memref_slice %arg6[%mul3A_2, %dma_start3A_67] : memref<16384x256xf32, #tpu.memory_space<hbm>> -> memref<512x128xf32, #tpu.memory_space<hbm>>
    tpu.enqueue_dma source(%arg9 : memref<512x128xf32, #tpu.memory_space<vmem>>) target(%dma_start3A_68 : memref<512x128xf32, #tpu.memory_space<hbm>>) target_semaphore(%arg12 : memref<!tpu.dma_semaphore, #tpu.memory_space<semaphore_mem>>)
    %dma_start3A_69 = arith.constant 0 : i32
    %dma_start3A_70 = arith.constant 0 : i32
    %dma_start3A_71 = tpu.memref_slice %arg10[%dma_start3A_69, %dma_start3A_70] : memref<256x128xf32, #tpu.memory_space<vmem>> -> memref<128x128xf32, #tpu.memory_space<vmem>>
    %dma_start3A_72 = arith.constant 0 : i32
    %dma_start3A_73 = tpu.memref_slice %arg8[%dma_start3A_72] : memref<512xi32, #tpu.memory_space<vmem>> -> memref<128xi32, #tpu.memory_space<vmem>>
    %dma_start3A_74 = arith.constant 0 : i32
    %dma_start3A_75 = arith.constant 0 : i32
    %dma_start3A_76 = tpu.memref_slice %arg5[%dma_start3A_74, %dma_start3A_75] : memref<1000000x128xf32, #tpu.memory_space<hbm>> -> memref<1000000x128xf32, #tpu.memory_space<hbm>>
    tpu.enqueue_indirect_dma source(%dma_start3A_76 : memref<1000000x128xf32, #tpu.memory_space<hbm>>) target(%dma_start3A_71 : memref<128x128xf32, #tpu.memory_space<vmem>>) offsets(%dma_start3A_73 : memref<128xi32, #tpu.memory_space<vmem>>) semaphore(%arg11 : memref<!tpu.dma_semaphore, #tpu.memory_space<semaphore_mem>>)
    %dma_start3A_77 = arith.constant 128 : i32
    %dma_start3A_78 = arith.constant 0 : i32
    %dma_start3A_79 = tpu.memref_slice %arg10[%dma_start3A_77, %dma_start3A_78] : memref<256x128xf32, #tpu.memory_space<vmem>> -> memref<128x128xf32, #tpu.memory_space<vmem>>
    %dma_start3A_80 = arith.constant 128 : i32
    %dma_start3A_81 = tpu.memref_slice %arg8[%dma_start3A_80] : memref<512xi32, #tpu.memory_space<vmem>> -> memref<128xi32, #tpu.memory_space<vmem>>
    %dma_start3A_82 = arith.constant 0 : i32
    %dma_start3A_83 = arith.constant 0 : i32
    %dma_start3A_84 = tpu.memref_slice %arg5[%dma_start3A_82, %dma_start3A_83] : memref<1000000x128xf32, #tpu.memory_space<hbm>> -> memref<1000000x128xf32, #tpu.memory_space<hbm>>
    tpu.enqueue_indirect_dma source(%dma_start3A_84 : memref<1000000x128xf32, #tpu.memory_space<hbm>>) target(%dma_start3A_79 : memref<128x128xf32, #tpu.memory_space<vmem>>) offsets(%dma_start3A_81 : memref<128xi32, #tpu.memory_space<vmem>>) semaphore(%arg11 : memref<!tpu.dma_semaphore, #tpu.memory_space<semaphore_mem>>)
    %dma_wait3A_85 = arith.constant 0 : i32
    %dma_wait3A_86 = arith.constant 0 : i32
    %dma_wait3A_87 = tpu.memref_slice %arg10[%dma_wait3A_85, %dma_wait3A_86] : memref<256x128xf32, #tpu.memory_space<vmem>> -> memref<128x128xf32, #tpu.memory_space<vmem>>
    %dma_wait3A_88 = arith.constant 0 : i32
    %dma_wait3A_89 = tpu.memref_slice %arg8[%dma_wait3A_88] : memref<512xi32, #tpu.memory_space<vmem>> -> memref<128xi32, #tpu.memory_space<vmem>>
    %dma_wait3A_90 = arith.constant 0 : i32
    %dma_wait3A_91 = arith.constant 0 : i32
    %dma_wait3A_92 = tpu.memref_slice %arg5[%dma_wait3A_90, %dma_wait3A_91] : memref<1000000x128xf32, #tpu.memory_space<hbm>> -> memref<1000000x128xf32, #tpu.memory_space<hbm>>
    tpu.wait_indirect_dma semaphore(%arg11 : memref<!tpu.dma_semaphore, #tpu.memory_space<semaphore_mem>>) src(%dma_wait3A_92 : memref<1000000x128xf32, #tpu.memory_space<hbm>>) dst(%dma_wait3A_87 : memref<128x128xf32, #tpu.memory_space<vmem>>)
    %dma_wait3A_93 = arith.constant 128 : i32
    %dma_wait3A_94 = arith.constant 0 : i32
    %dma_wait3A_95 = tpu.memref_slice %arg10[%dma_wait3A_93, %dma_wait3A_94] : memref<256x128xf32, #tpu.memory_space<vmem>> -> memref<128x128xf32, #tpu.memory_space<vmem>>
    %dma_wait3A_96 = arith.constant 128 : i32
    %dma_wait3A_97 = tpu.memref_slice %arg8[%dma_wait3A_96] : memref<512xi32, #tpu.memory_space<vmem>> -> memref<128xi32, #tpu.memory_space<vmem>>
    %dma_wait3A_98 = arith.constant 0 : i32
    %dma_wait3A_99 = arith.constant 0 : i32
    %dma_wait3A_100 = tpu.memref_slice %arg5[%dma_wait3A_98, %dma_wait3A_99] : memref<1000000x128xf32, #tpu.memory_space<hbm>> -> memref<1000000x128xf32, #tpu.memory_space<hbm>>
    tpu.wait_indirect_dma semaphore(%arg11 : memref<!tpu.dma_semaphore, #tpu.memory_space<semaphore_mem>>) src(%dma_wait3A_100 : memref<1000000x128xf32, #tpu.memory_space<hbm>>) dst(%dma_wait3A_95 : memref<128x128xf32, #tpu.memory_space<vmem>>)
    %dma_wait3A_101 = arith.constant 0 : i32
    %dma_wait3A_102 = tpu.memref_slice %arg6[%mul3A_2, %dma_wait3A_101] : memref<16384x256xf32, #tpu.memory_space<hbm>> -> memref<512x128xf32, #tpu.memory_space<hbm>>
    %dma_wait3A_103 = arith.constant 0 : i32
    %dma_wait3A_104 = tpu.memref_slice %arg6[%mul3A_2, %dma_wait3A_103] : memref<16384x256xf32, #tpu.memory_space<hbm>> -> memref<512x128xf32, #tpu.memory_space<hbm>>
    tpu.wait_dma2 semaphore(%arg12 : memref<!tpu.dma_semaphore, #tpu.memory_space<semaphore_mem>>) src(%arg9 : memref<512x128xf32, #tpu.memory_space<vmem>>) dst(%dma_wait3A_104 : memref<512x128xf32, #tpu.memory_space<hbm>>)
    %dma_start3A_105 = arith.constant 128 : i32
    %dma_start3A_106 = tpu.memref_slice %arg6[%mul3A_2, %dma_start3A_105] : memref<16384x256xf32, #tpu.memory_space<hbm>> -> memref<256x128xf32, #tpu.memory_space<hbm>>
    %dma_start3A_107 = arith.constant 128 : i32
    %dma_start3A_108 = tpu.memref_slice %arg6[%mul3A_2, %dma_start3A_107] : memref<16384x256xf32, #tpu.memory_space<hbm>> -> memref<256x128xf32, #tpu.memory_space<hbm>>
    tpu.enqueue_dma source(%arg10 : memref<256x128xf32, #tpu.memory_space<vmem>>) target(%dma_start3A_108 : memref<256x128xf32, #tpu.memory_space<hbm>>) target_semaphore(%arg12 : memref<!tpu.dma_semaphore, #tpu.memory_space<semaphore_mem>>)
    %dma_start3A_109 = arith.constant 0 : i32
    %dma_start3A_110 = arith.constant 0 : i32
    %dma_start3A_111 = tpu.memref_slice %arg9[%dma_start3A_109, %dma_start3A_110] : memref<512x128xf32, #tpu.memory_space<vmem>> -> memref<128x128xf32, #tpu.memory_space<vmem>>
    %dma_start3A_112 = arith.constant 256 : i32
    %dma_start3A_113 = tpu.memref_slice %arg8[%dma_start3A_112] : memref<512xi32, #tpu.memory_space<vmem>> -> memref<128xi32, #tpu.memory_space<vmem>>
    %dma_start3A_114 = arith.constant 0 : i32
    %dma_start3A_115 = arith.constant 0 : i32
    %dma_start3A_116 = tpu.memref_slice %arg5[%dma_start3A_114, %dma_start3A_115] : memref<1000000x128xf32, #tpu.memory_space<hbm>> -> memref<1000000x128xf32, #tpu.memory_space<hbm>>
    tpu.enqueue_indirect_dma source(%dma_start3A_116 : memref<1000000x128xf32, #tpu.memory_space<hbm>>) target(%dma_start3A_111 : memref<128x128xf32, #tpu.memory_space<vmem>>) offsets(%dma_start3A_113 : memref<128xi32, #tpu.memory_space<vmem>>) semaphore(%arg11 : memref<!tpu.dma_semaphore, #tpu.memory_space<semaphore_mem>>)
    %dma_start3A_117 = arith.constant 128 : i32
    %dma_start3A_118 = arith.constant 0 : i32
    %dma_start3A_119 = tpu.memref_slice %arg9[%dma_start3A_117, %dma_start3A_118] : memref<512x128xf32, #tpu.memory_space<vmem>> -> memref<128x128xf32, #tpu.memory_space<vmem>>
    %dma_start3A_120 = arith.constant 384 : i32
    %dma_start3A_121 = tpu.memref_slice %arg8[%dma_start3A_120] : memref<512xi32, #tpu.memory_space<vmem>> -> memref<128xi32, #tpu.memory_space<vmem>>
    %dma_start3A_122 = arith.constant 0 : i32
    %dma_start3A_123 = arith.constant 0 : i32
    %dma_start3A_124 = tpu.memref_slice %arg5[%dma_start3A_122, %dma_start3A_123] : memref<1000000x128xf32, #tpu.memory_space<hbm>> -> memref<1000000x128xf32, #tpu.memory_space<hbm>>
    tpu.enqueue_indirect_dma source(%dma_start3A_124 : memref<1000000x128xf32, #tpu.memory_space<hbm>>) target(%dma_start3A_119 : memref<128x128xf32, #tpu.memory_space<vmem>>) offsets(%dma_start3A_121 : memref<128xi32, #tpu.memory_space<vmem>>) semaphore(%arg11 : memref<!tpu.dma_semaphore, #tpu.memory_space<semaphore_mem>>)
    %dma_wait3A_125 = arith.constant 0 : i32
    %dma_wait3A_126 = arith.constant 0 : i32
    %dma_wait3A_127 = tpu.memref_slice %arg9[%dma_wait3A_125, %dma_wait3A_126] : memref<512x128xf32, #tpu.memory_space<vmem>> -> memref<128x128xf32, #tpu.memory_space<vmem>>
    %dma_wait3A_128 = arith.constant 256 : i32
    %dma_wait3A_129 = tpu.memref_slice %arg8[%dma_wait3A_128] : memref<512xi32, #tpu.memory_space<vmem>> -> memref<128xi32, #tpu.memory_space<vmem>>
    %dma_wait3A_130 = arith.constant 0 : i32
    %dma_wait3A_131 = arith.constant 0 : i32
    %dma_wait3A_132 = tpu.memref_slice %arg5[%dma_wait3A_130, %dma_wait3A_131] : memref<1000000x128xf32, #tpu.memory_space<hbm>> -> memref<1000000x128xf32, #tpu.memory_space<hbm>>
    tpu.wait_indirect_dma semaphore(%arg11 : memref<!tpu.dma_semaphore, #tpu.memory_space<semaphore_mem>>) src(%dma_wait3A_132 : memref<1000000x128xf32, #tpu.memory_space<hbm>>) dst(%dma_wait3A_127 : memref<128x128xf32, #tpu.memory_space<vmem>>)
    %dma_wait3A_133 = arith.constant 128 : i32
    %dma_wait3A_134 = arith.constant 0 : i32
    %dma_wait3A_135 = tpu.memref_slice %arg9[%dma_wait3A_133, %dma_wait3A_134] : memref<512x128xf32, #tpu.memory_space<vmem>> -> memref<128x128xf32, #tpu.memory_space<vmem>>
    %dma_wait3A_136 = arith.constant 384 : i32
    %dma_wait3A_137 = tpu.memref_slice %arg8[%dma_wait3A_136] : memref<512xi32, #tpu.memory_space<vmem>> -> memref<128xi32, #tpu.memory_space<vmem>>
    %dma_wait3A_138 = arith.constant 0 : i32
    %dma_wait3A_139 = arith.constant 0 : i32
    %dma_wait3A_140 = tpu.memref_slice %arg5[%dma_wait3A_138, %dma_wait3A_139] : memref<1000000x128xf32, #tpu.memory_space<hbm>> -> memref<1000000x128xf32, #tpu.memory_space<hbm>>
    tpu.wait_indirect_dma semaphore(%arg11 : memref<!tpu.dma_semaphore, #tpu.memory_space<semaphore_mem>>) src(%dma_wait3A_140 : memref<1000000x128xf32, #tpu.memory_space<hbm>>) dst(%dma_wait3A_135 : memref<128x128xf32, #tpu.memory_space<vmem>>)
    %dma_wait3A_141 = arith.constant 128 : i32
    %dma_wait3A_142 = tpu.memref_slice %arg6[%mul3A_2, %dma_wait3A_141] : memref<16384x256xf32, #tpu.memory_space<hbm>> -> memref<256x128xf32, #tpu.memory_space<hbm>>
    %dma_wait3A_143 = arith.constant 128 : i32
    %dma_wait3A_144 = tpu.memref_slice %arg6[%mul3A_2, %dma_wait3A_143] : memref<16384x256xf32, #tpu.memory_space<hbm>> -> memref<256x128xf32, #tpu.memory_space<hbm>>
    tpu.wait_dma2 semaphore(%arg12 : memref<!tpu.dma_semaphore, #tpu.memory_space<semaphore_mem>>) src(%arg10 : memref<256x128xf32, #tpu.memory_space<vmem>>) dst(%dma_wait3A_144 : memref<256x128xf32, #tpu.memory_space<hbm>>)
    %add3A_145 = arith.constant 256 : i32
    %add3A_146 = arith.addi %mul3A_2, %add3A_145 : i32
    "tpu.region"() ({
      %run_scoped3A = tpu.sem_alloc : memref<!tpu.dma_semaphore, #tpu.memory_space<semaphore_mem>>
      %dma_start3A_147 = arith.constant 0 : i32
      %dma_start3A_148 = arith.constant 0 : i32
      %dma_start3A_149 = tpu.memref_slice %arg9[%dma_start3A_147, %dma_start3A_148] : memref<512x128xf32, #tpu.memory_space<vmem>> -> memref<256x128xf32, #tpu.memory_space<vmem>>
      %dma_start3A_150 = arith.constant 128 : i32
      %dma_start3A_151 = tpu.memref_slice %arg6[%add3A_146, %dma_start3A_150] : memref<16384x256xf32, #tpu.memory_space<hbm>> -> memref<256x128xf32, #tpu.memory_space<hbm>>
      %dma_start3A_152 = arith.constant 128 : i32
      %dma_start3A_153 = tpu.memref_slice %arg6[%add3A_146, %dma_start3A_152] : memref<16384x256xf32, #tpu.memory_space<hbm>> -> memref<256x128xf32, #tpu.memory_space<hbm>>
      %dma_start3A_154 = arith.constant 0 : i32
      %dma_start3A_155 = arith.constant 0 : i32
      %dma_start3A_156 = tpu.memref_slice %arg9[%dma_start3A_154, %dma_start3A_155] : memref<512x128xf32, #tpu.memory_space<vmem>> -> memref<256x128xf32, #tpu.memory_space<vmem>>
      tpu.enqueue_dma source(%dma_start3A_156 : memref<256x128xf32, #tpu.memory_space<vmem>>) target(%dma_start3A_153 : memref<256x128xf32, #tpu.memory_space<hbm>>) target_semaphore(%run_scoped3A : memref<!tpu.dma_semaphore, #tpu.memory_space<semaphore_mem>>)
      %dma_wait3A_157 = arith.constant 0 : i32
      %dma_wait3A_158 = arith.constant 0 : i32
      %dma_wait3A_159 = tpu.memref_slice %arg9[%dma_wait3A_157, %dma_wait3A_158] : memref<512x128xf32, #tpu.memory_space<vmem>> -> memref<256x128xf32, #tpu.memory_space<vmem>>
      %dma_wait3A_160 = arith.constant 128 : i32
      %dma_wait3A_161 = tpu.memref_slice %arg6[%add3A_146, %dma_wait3A_160] : memref<16384x256xf32, #tpu.memory_space<hbm>> -> memref<256x128xf32, #tpu.memory_space<hbm>>
      %dma_wait3A_162 = arith.constant 128 : i32
      %dma_wait3A_163 = tpu.memref_slice %arg6[%add3A_146, %dma_wait3A_162] : memref<16384x256xf32, #tpu.memory_space<hbm>> -> memref<256x128xf32, #tpu.memory_space<hbm>>
      %dma_wait3A_164 = arith.constant 0 : i32
      %dma_wait3A_165 = arith.constant 0 : i32
      %dma_wait3A_166 = tpu.memref_slice %arg9[%dma_wait3A_164, %dma_wait3A_165] : memref<512x128xf32, #tpu.memory_space<vmem>> -> memref<256x128xf32, #tpu.memory_space<vmem>>
      tpu.wait_dma2 semaphore(%run_scoped3A : memref<!tpu.dma_semaphore, #tpu.memory_space<semaphore_mem>>) src(%dma_wait3A_166 : memref<256x128xf32, #tpu.memory_space<vmem>>) dst(%dma_wait3A_163 : memref<256x128xf32, #tpu.memory_space<hbm>>)
      tpu.yield
    }) : () -> ()
    return
  }
}

module attributes {stable_mosaic.version = 14 : i64} {
  func.func @_mlp_body(%arg0: memref<16384x256xf32, #tpu.memory_space<vmem>>, %arg1: memref<256x128xf32, #tpu.memory_space<vmem>>, %arg2: memref<1x128xf32, #tpu.memory_space<vmem>>, %arg3: memref<1x128xf32, #tpu.memory_space<vmem>>, %arg4: memref<1x128xf32, #tpu.memory_space<vmem>>, %arg5: memref<128x32xf32, #tpu.memory_space<vmem>>, %arg6: memref<1x32xf32, #tpu.memory_space<vmem>>, %arg7: memref<1x32xf32, #tpu.memory_space<vmem>>, %arg8: memref<1x32xf32, #tpu.memory_space<vmem>>, %arg9: memref<32x1xf32, #tpu.memory_space<vmem>>, %arg10: memref<1x1xf32, #tpu.memory_space<vmem>>, %arg11: memref<16384xf32, #tpu.memory_space<vmem>>) attributes {dimension_semantics = [], scalar_prefetch = 0 : i64, scratch_operands = 0 : i64, tpu.core_type = #tpu.core_type<tc>} {
    %get3A = arith.constant 0 : index
    %get3A_0 = arith.constant 0 : index
    %get3A_1 = vector.load %arg0[%get3A, %get3A_0] : memref<16384x256xf32, #tpu.memory_space<vmem>>, vector<16384x256xf32>
    %get3A_2 = arith.constant 0 : index
    %get3A_3 = arith.constant 0 : index
    %get3A_4 = vector.load %arg1[%get3A_2, %get3A_3] : memref<256x128xf32, #tpu.memory_space<vmem>>, vector<256x128xf32>
    %dot_general3A = arith.constant dense<0.000000e+00> : vector<16384x128xf32>
    %dot_general3A_5 = tpu.matmul %get3A_1, %get3A_4, %dot_general3A {dimension_numbers = #tpu.dot_dimension_numbers<[1], [0], [0], [1], [0, 0, 1, 1], [], []>, transpose_lhs_hint = false} : vector<16384x256xf32>, vector<256x128xf32>, vector<16384x128xf32> -> vector<16384x128xf32>
    %get3A_6 = arith.constant 0 : index
    %get3A_7 = arith.constant 0 : index
    %get3A_8 = vector.load %arg2[%get3A_6, %get3A_7] : memref<1x128xf32, #tpu.memory_space<vmem>>, vector<1x128xf32>
    %add3A = vector.broadcast %get3A_8 : vector<1x128xf32> to vector<16384x128xf32>
    %add3A_9 = arith.addf %dot_general3A_5, %add3A : vector<16384x128xf32>
    %get3A_10 = arith.constant 0 : index
    %get3A_11 = arith.constant 0 : index
    %get3A_12 = vector.load %arg3[%get3A_10, %get3A_11] : memref<1x128xf32, #tpu.memory_space<vmem>>, vector<1x128xf32>
    %get3A_13 = arith.constant 0 : index
    %get3A_14 = arith.constant 0 : index
    %get3A_15 = vector.load %arg4[%get3A_13, %get3A_14] : memref<1x128xf32, #tpu.memory_space<vmem>>, vector<1x128xf32>
    %reduce_sum3A = arith.constant dense<0.000000e+00> : vector<128xf32>
    %reduce_sum3A_16 = vector.multi_reduction <add>, %add3A_9, %reduce_sum3A [0] : vector<16384x128xf32> to vector<128xf32>
    %broadcast_in_dim3A = vector.shape_cast %reduce_sum3A_16 : vector<128xf32> to vector<1x128xf32>
    %div3A = arith.constant 1.638400e+04 : f32
    %div3A_17 = vector.broadcast %div3A : f32 to vector<1x128xf32>
    %div3A_18 = arith.divf %broadcast_in_dim3A, %div3A_17 : vector<1x128xf32>
    %mul3A = arith.mulf %add3A_9, %add3A_9 : vector<16384x128xf32>
    %reduce_sum3A_19 = arith.constant dense<0.000000e+00> : vector<128xf32>
    %reduce_sum3A_20 = vector.multi_reduction <add>, %mul3A, %reduce_sum3A_19 [0] : vector<16384x128xf32> to vector<128xf32>
    %broadcast_in_dim3A_21 = vector.shape_cast %reduce_sum3A_20 : vector<128xf32> to vector<1x128xf32>
    %div3A_22 = arith.constant 1.638400e+04 : f32
    %div3A_23 = vector.broadcast %div3A_22 : f32 to vector<1x128xf32>
    %div3A_24 = arith.divf %broadcast_in_dim3A_21, %div3A_23 : vector<1x128xf32>
    %mul3A_25 = arith.mulf %div3A_18, %div3A_18 : vector<1x128xf32>
    %sub3A = arith.subf %div3A_24, %mul3A_25 : vector<1x128xf32>
    %add3A_26 = arith.constant 9.99999974E-6 : f32
    %add3A_27 = vector.broadcast %add3A_26 : f32 to vector<1x128xf32>
    %add3A_28 = arith.addf %sub3A, %add3A_27 : vector<1x128xf32>
    %rsqrt3A = math.rsqrt %add3A_28 : vector<1x128xf32>
    %mul3A_29 = arith.mulf %get3A_12, %rsqrt3A : vector<1x128xf32>
    %mul3A_30 = arith.mulf %mul3A_29, %div3A_18 : vector<1x128xf32>
    %sub3A_31 = arith.subf %get3A_15, %mul3A_30 : vector<1x128xf32>
    %mul3A_32 = vector.broadcast %mul3A_29 : vector<1x128xf32> to vector<16384x128xf32>
    %mul3A_33 = arith.mulf %mul3A_32, %add3A_9 : vector<16384x128xf32>
    %add3A_34 = vector.broadcast %sub3A_31 : vector<1x128xf32> to vector<16384x128xf32>
    %add3A_35 = arith.addf %mul3A_33, %add3A_34 : vector<16384x128xf32>
    %max3A = arith.constant 0.000000e+00 : f32
    %max3A_36 = vector.broadcast %max3A : f32 to vector<16384x128xf32>
    %max3A_37 = arith.maximumf %add3A_35, %max3A_36 : vector<16384x128xf32>
    %get3A_38 = arith.constant 0 : index
    %get3A_39 = arith.constant 0 : index
    %get3A_40 = vector.load %arg5[%get3A_38, %get3A_39] : memref<128x32xf32, #tpu.memory_space<vmem>>, vector<128x32xf32>
    %dot_general3A_41 = arith.constant dense<0.000000e+00> : vector<16384x32xf32>
    %dot_general3A_42 = tpu.matmul %max3A_37, %get3A_40, %dot_general3A_41 {dimension_numbers = #tpu.dot_dimension_numbers<[1], [0], [0], [1], [0, 0, 1, 1], [], []>, transpose_lhs_hint = false} : vector<16384x128xf32>, vector<128x32xf32>, vector<16384x32xf32> -> vector<16384x32xf32>
    %get3A_43 = arith.constant 0 : index
    %get3A_44 = arith.constant 0 : index
    %get3A_45 = vector.load %arg6[%get3A_43, %get3A_44] : memref<1x32xf32, #tpu.memory_space<vmem>>, vector<1x32xf32>
    %add3A_46 = vector.broadcast %get3A_45 : vector<1x32xf32> to vector<16384x32xf32>
    %add3A_47 = arith.addf %dot_general3A_42, %add3A_46 : vector<16384x32xf32>
    %get3A_48 = arith.constant 0 : index
    %get3A_49 = arith.constant 0 : index
    %get3A_50 = vector.load %arg7[%get3A_48, %get3A_49] : memref<1x32xf32, #tpu.memory_space<vmem>>, vector<1x32xf32>
    %get3A_51 = arith.constant 0 : index
    %get3A_52 = arith.constant 0 : index
    %get3A_53 = vector.load %arg8[%get3A_51, %get3A_52] : memref<1x32xf32, #tpu.memory_space<vmem>>, vector<1x32xf32>
    %reduce_sum3A_54 = arith.constant dense<0.000000e+00> : vector<32xf32>
    %reduce_sum3A_55 = vector.multi_reduction <add>, %add3A_47, %reduce_sum3A_54 [0] : vector<16384x32xf32> to vector<32xf32>
    %broadcast_in_dim3A_56 = vector.shape_cast %reduce_sum3A_55 : vector<32xf32> to vector<1x32xf32>
    %div3A_57 = arith.constant 1.638400e+04 : f32
    %div3A_58 = vector.broadcast %div3A_57 : f32 to vector<1x32xf32>
    %div3A_59 = arith.divf %broadcast_in_dim3A_56, %div3A_58 : vector<1x32xf32>
    %mul3A_60 = arith.mulf %add3A_47, %add3A_47 : vector<16384x32xf32>
    %reduce_sum3A_61 = arith.constant dense<0.000000e+00> : vector<32xf32>
    %reduce_sum3A_62 = vector.multi_reduction <add>, %mul3A_60, %reduce_sum3A_61 [0] : vector<16384x32xf32> to vector<32xf32>
    %broadcast_in_dim3A_63 = vector.shape_cast %reduce_sum3A_62 : vector<32xf32> to vector<1x32xf32>
    %div3A_64 = arith.constant 1.638400e+04 : f32
    %div3A_65 = vector.broadcast %div3A_64 : f32 to vector<1x32xf32>
    %div3A_66 = arith.divf %broadcast_in_dim3A_63, %div3A_65 : vector<1x32xf32>
    %mul3A_67 = arith.mulf %div3A_59, %div3A_59 : vector<1x32xf32>
    %sub3A_68 = arith.subf %div3A_66, %mul3A_67 : vector<1x32xf32>
    %add3A_69 = arith.constant 9.99999974E-6 : f32
    %add3A_70 = vector.broadcast %add3A_69 : f32 to vector<1x32xf32>
    %add3A_71 = arith.addf %sub3A_68, %add3A_70 : vector<1x32xf32>
    %rsqrt3A_72 = math.rsqrt %add3A_71 : vector<1x32xf32>
    %mul3A_73 = arith.mulf %get3A_50, %rsqrt3A_72 : vector<1x32xf32>
    %mul3A_74 = arith.mulf %mul3A_73, %div3A_59 : vector<1x32xf32>
    %sub3A_75 = arith.subf %get3A_53, %mul3A_74 : vector<1x32xf32>
    %mul3A_76 = vector.broadcast %mul3A_73 : vector<1x32xf32> to vector<16384x32xf32>
    %mul3A_77 = arith.mulf %mul3A_76, %add3A_47 : vector<16384x32xf32>
    %add3A_78 = vector.broadcast %sub3A_75 : vector<1x32xf32> to vector<16384x32xf32>
    %add3A_79 = arith.addf %mul3A_77, %add3A_78 : vector<16384x32xf32>
    %max3A_80 = arith.constant 0.000000e+00 : f32
    %max3A_81 = vector.broadcast %max3A_80 : f32 to vector<16384x32xf32>
    %max3A_82 = arith.maximumf %add3A_79, %max3A_81 : vector<16384x32xf32>
    %get3A_83 = arith.constant 0 : index
    %get3A_84 = arith.constant 0 : index
    %get3A_85 = vector.load %arg9[%get3A_83, %get3A_84] : memref<32x1xf32, #tpu.memory_space<vmem>>, vector<32x1xf32>
    %dot_general3A_86 = arith.constant dense<0.000000e+00> : vector<16384x1xf32>
    %dot_general3A_87 = tpu.matmul %max3A_82, %get3A_85, %dot_general3A_86 {dimension_numbers = #tpu.dot_dimension_numbers<[1], [0], [0], [1], [0, 0, 1, 1], [], []>, transpose_lhs_hint = false} : vector<16384x32xf32>, vector<32x1xf32>, vector<16384x1xf32> -> vector<16384x1xf32>
    %get3A_88 = arith.constant 0 : index
    %get3A_89 = arith.constant 0 : index
    %get3A_90 = vector.load %arg10[%get3A_88, %get3A_89] : memref<1x1xf32, #tpu.memory_space<vmem>>, vector<1x1xf32>
    %add3A_91 = vector.broadcast %get3A_90 : vector<1x1xf32> to vector<16384x1xf32>
    %add3A_92 = arith.addf %dot_general3A_87, %add3A_91 : vector<16384x1xf32>
    %reshape3A = vector.shape_cast %add3A_92 : vector<16384x1xf32> to vector<16384xf32>
    %swap3A = arith.constant 0 : index
    %swap3A_93 = vector.load %arg11[%swap3A] : memref<16384xf32, #tpu.memory_space<vmem>>, vector<16384xf32>
    tpu.vector_store %arg11[%swap3A], %reshape3A {strides = array<i32>} : memref<16384xf32, #tpu.memory_space<vmem>>, vector<16384xf32>,
    return
  }
}

</mosaic_0001>

<sc_bundles>
// kernel: kernel.4.cloned.1.call-start
scs
__scs_entry_jumppad:
0x0: {  	(pc) =	sbr.rel $0x88, $3  }
0x1: {  	(tag) =	ssettag $0x0;
	lr =	simm.s32 $0x1  }
0x2: {  	[smem:$0x3F8B] =	sst lr;
	_ =	strace $0xD0000000  }
0x3: {  	_ = 	snop  }
0x4: {  	_ = 	snop  }
0x5: {  	_ = 	snop  }
0x6: {  	_ = 	snop  }
0x7: {  	_ = 	snop  }
__scs_overlays_trampoline_lowered:
0x8: {  	[smem:$0x3F9A] =	sst s0  }
0x9: {  	[smem:$0x3F9B] =	sst s1  }
0xa: {  	[smem:$0x3F9C] =	sst s2  }
0xb: {  	[smem:$0x3F9D] =	sst s3  }
0xc: {  	[smem:$0x3F9E] =	sst s4  }
0xd: {  	[smem:$0x3F9F] =	sst s5  }
0xe: {  	[smem:$0x3FA0] =	sst s6  }
0xf: {  	[smem:$0x3FA1] =	sst s7  }
0x10: {  	[smem:$0x3FA2] =	sst s8  }
0x11: {  	[smem:$0x3FA3] =	sst s9;
	s0 =	simm.s32 @!p0 $0x0  }
0x12: {  	s1 =	sld [smem:$0x3F89];
	s0 =	simm.s32 @p0 $0x1  }
0x13: {  	[smem:$0x3FA4] =	sst s0;
	s0 =	simm.s32 @!p1 $0x0  }
0x14: {  	s2 =	sld [smem:$0x3F88];
	s0 =	simm.s32 @p1 $0x1  }
0x15: {  	[smem:$0x3FA5] =	sst s0;
	s0 =	simm.s32 @!p2 $0x0  }
0x16: {  	s3 =	sld [smem:$0x3FDB];
	s0 =	simm.s32 @p2 $0x1  }
0x17: {  	s4 =	simm.s32 $0x1BF5;
	[smem:$0x3FA7] =	sst s0  }
0x18: {  	s0 =	sld [smem:$0x3F8A];
	_ =	swait.ge [sflag:s4], $0x0  }
0x19: {  	s7 =	sld [smem:$0x3F8B]  }
0x1a: {  	s8 =	sadd.s32 $0xFFFFE003, lr  }
0x1b: {  	s9 =	sadd.s32 $0xFFFFFEF7, lr;
	s5 =	simm.s32 $0xFFFFFFFF;
	p2 =	slt.u32 s8, $0xFFFFF086  }
0x1c: {  	p1 =	slt.u32 s9, $0xF7A;
	s5 =	simm.s32 @!p2 $0x0  }
0x1d: {  	s5 =	simm.s32 @p1 $0x1;
	p0 =	seq.s32 s7, s2  }
0x1e: {  	s7 =	smul.u32 @!p0 $0xF7A, s2;
	p2 =	seq.s32 @!p0 s5, $0x0  }
0x1f: {  	s9 =	smul.u32 $0xF7A, s1;
	s8 =	simm.s32 @!p0 $0x1BF5;
	p2 =	por !p2, p0  }
0x20: {  	[sflag:s8] =	ssyncset.s32 @!p0 $0xFFFFF086;
	s6 =	sadd.s32 @!p0 s3, s7;
	s7 =	simm.s32 @!p0 $0x108  }
0x21: {  	s3 =	sadd.s32 s3, s9;
	s6 =	sadd.s32 @!p0 $0x88, s6;
	s7 =	simm.s32 @p2 $0x1082  }
0x22: {  	[simem:s7], [sflag:s8] =	dma.local @!p0 [hbm:s6], $0xF7A  }
0x23: {  	s9 =	sor.u32 $0xD0000000, s2;
	s6 =	simm.s32 $0x108;
	_ =	swait.ge @!p0 [sflag:s8], $0x0  }
0x24: {  	s3 =	sadd.s32 $0x88, s3;
	s6 =	simm.s32 @!p1 $0x1082;
	[sflag:s4] =	ssyncset.s32 $0xFFFFF086  }
0x25: {  	[simem:s6], [sflag:s4] =	dma.local [hbm:s3], $0xF7A  }
0x26: {  	[smem:$0x3F8B] =	sst s1;
	(tag) =	ssettag s2;
	_ =	strace s9  }
0x27: {  	s1 =	sld [smem:$0x3F9B]  }
0x28: {  	s2 =	sld [smem:$0x3F9C]  }
0x29: {  	s4 =	sld [smem:$0x3F9E]  }
0x2a: {  	p0 =	seq.s32 s5, $0x0;
	s5 =	sld [smem:$0x3F9F]  }
0x2b: {  	s6 =	sld [smem:$0x3FA0]  }
0x2c: {  	s7 =	sld [smem:$0x3FA1]  }
0x2d: {  	s3 =	simm.s32 $0x108;
	s8 =	sld [smem:$0x3FA2]  }
0x2e: {  	s3 =	simm.s32 @!p0 $0x1082;
	s9 =	sld [smem:$0x3FA3]  }
0x2f: {  	lr =	sadd.s32 s0, s3;
	s0 =	sld [smem:$0x3F9A]  }
0x30: {  	s3 =	sld [smem:$0x3F9D]  }
0x31: {  	[smem:$0x3FA6] =	sst s10  }
0x32: {  	s10 =	sld [smem:$0x3FA4];
	_ =	sdelay $0x3  }
0x33: {  	p0 =	seq.s32 s10, $0x1;
	s10 =	sld [smem:$0x3FA6];
	_ =	sdelay $0x3  }
0x34: {  	[smem:$0x3FA6] =	sst s10  }
0x35: {  	s10 =	sld [smem:$0x3FA5];
	_ =	sdelay $0x3  }
0x36: {  	p1 =	seq.s32 s10, $0x1;
	s10 =	sld [smem:$0x3FA6];
	_ =	sdelay $0x3  }
0x37: {  	[smem:$0x3FA6] =	sst s10  }
0x38: {  	s10 =	sld [smem:$0x3FA7]  }
0x39: {  	_ = 	snop;
	(pc) =	sbr.ind lr, $3  }
0x3a: {  	_ = 	snop  }
0x3b: {  	_ = 	snop  }
0x3c: {  	p2 =	seq.s32 s10, $0x1;
	s10 =	sld [smem:$0x3FA6]  }
0x3d: {  	_ =	shalt  }
0x3e: {  	_ =	shalt  }
0x3f: {  	_ =	shalt  }
0x40: {  	_ =	shalt  }
0x41: {  	_ =	shalt  }
0x42: {  	_ =	shalt  }
0x43: {  	_ =	shalt  }
0x44: {  	_ =	shalt  }
0x45: {  	_ =	shalt  }
0x46: {  	_ =	shalt  }
0x47: {  	_ =	shalt  }
0x48: {  	_ =	shalt  }
0x49: {  	_ =	shalt  }
0x4a: {  	_ =	shalt  }
0x4b: {  	_ =	shalt  }
0x4c: {  	_ =	shalt  }
0x4d: {  	_ =	shalt  }
0x4e: {  	_ =	shalt  }
0x4f: {  	_ =	shalt  }
0x50: {  	_ =	shalt  }
0x51: {  	_ =	shalt  }
0x52: {  	_ =	shalt  }
0x53: {  	_ =	shalt  }
0x54: {  	_ =	shalt  }
0x55: {  	_ =	shalt  }
0x56: {  	_ =	shalt  }
0x57: {  	_ =	shalt  }
0x58: {  	_ =	shalt  }
0x59: {  	_ =	shalt  }
0x5a: {  	_ =	shalt  }
0x5b: {  	_ =	shalt  }
0x5c: {  	_ =	shalt  }
0x5d: {  	_ =	shalt  }
0x5e: {  	_ =	shalt  }
0x5f: {  	_ =	shalt  }
0x60: {  	_ =	shalt  }
0x61: {  	_ =	shalt  }
0x62: {  	_ =	shalt  }
0x63: {  	_ =	shalt  }
0x64: {  	_ =	shalt  }
0x65: {  	_ =	shalt  }
0x66: {  	_ =	shalt  }
0x67: {  	_ =	shalt  }
0x68: {  	_ =	shalt  }
0x69: {  	_ =	shalt  }
0x6a: {  	_ =	shalt  }
0x6b: {  	_ =	shalt  }
0x6c: {  	_ =	shalt  }
0x6d: {  	_ =	shalt  }
0x6e: {  	_ =	shalt  }
0x6f: {  	_ =	shalt  }
0x70: {  	_ =	shalt  }
0x71: {  	_ =	shalt  }
0x72: {  	_ =	shalt  }
0x73: {  	_ =	shalt  }
0x74: {  	_ =	shalt  }
0x75: {  	_ =	shalt  }
0x76: {  	_ =	shalt  }
0x77: {  	_ =	shalt  }
0x78: {  	_ =	shalt  }
0x79: {  	_ =	shalt  }
0x7a: {  	_ =	shalt  }
0x7b: {  	_ =	shalt  }
0x7c: {  	_ =	shalt  }
0x7d: {  	_ =	shalt  }
0x7e: {  	_ =	shalt  }
0x7f: {  	_ =	shalt  }
0x80: {  	_ =	shalt  }
0x81: {  	_ =	shalt  }
0x82: {  	_ =	shalt  }
0x83: {  	_ =	shalt  }
0x84: {  	_ =	shalt  }
0x85: {  	_ =	shalt  }
0x86: {  	_ =	shalt  }
0x87: {  	_ =	shalt  }
.Lfunc_end0:
.L_simem_size_0:
called_computation_lowered:
.L_overlay_start_0:
0x88: {  	s2 =	sld [smem:$0x3FD9]  }
0x89: {  	s3 =	sld [smem:$0x3FFE];
	_ =	sdelay $0x1  }
0x8a: {  	s1 =	srdreg.scid  }
0x8b: {  	s0 =	sand.u32 $0x1, s1  }
0x8c: {  	s17 =	sshll.u32 s0, $0xA;
	s2 =	sadd.s32 s3, s2  }
0x8d: {  	s2 =	sadd.s32 s2, s17  }
0x8e: {  	[smem:$0x3FB2] =	sst s2  }
0x8f: {  	_ = 	snop  }
0x90: {  	s2 =	sld [smem:$0x3FC9]  }
0x91: {  	s18 =	sld [smem:$0x3FC8]  }
0x92: {  	s4 =	sld [smem:$0x3FC7]  }
0x93: {  	s5 =	sld [smem:$0x3FC6];
	(tm) =	ssettm $0x1  }
0x94: {  	s6 =	sld [smem:$0x3FFB];
	_ =	sdelay $0x3  }
0x95: {  	_ =	strace s6  }
0x96: {  	s6 =	sld [smem:$0x3FFC];
	_ =	sdelay $0x3  }
0x97: {  	_ =	strace s6  }
0x98: {  	s6 =	sld [smem:$0x3FFD];
	_ =	sdelay $0x3  }
0x99: {  	_ =	strace s6  }
0x9a: {  	_ =	strace $0x8FFFFFFF  }
0x9b: {  	s19 =	sld [smem:$0x3FDB];
	_ =	sdelay $0x1  }
0x9c: {  	s7 =	simm.s32 $_scs_section_size  }
0x9d: {  	s8 =	simm.s32 $_size__tile_overlayer_lowered;
	s9 =	simm.s32 $_tile_overlayer_lowered  }
0x9e: {  	s22 =	simm.s32 $0x1BFF;
	s21 =	sshll.u32 s9, $0x1;
	s6 =	sadd.s32 s7, s19  }
0x9f: {  	s10 =	simm.s32 $0x0;
	s20 =	sshll.u32 s8, $0x1;
	s8 =	sadd.s32 s21, s6  }
0xa0: {  	[timem:s10], [sflag:s22] =	dma.local [hbm:s8], s20  }
0xa1: {  	_ =	swait.ge [sflag:s22], s20  }
0xa2: {  	s7 =	ssub.s32 $0x0, s20;
	[sflag:s22] =	ssyncset.done $0x0  }
0xa3: {  	[sflag:s22] =	ssyncadd.s32 s7;
	_ =	sdelay $0x1  }
0xa4: {  	s23 =	simm.s32 $0x1B8B  }
0xa5: {  	_ =	swait.ge [sflag:s23], $0x1  }
0xa6: {  	[sflag:s23] =	ssyncset.done $0x0  }
0xa7: {  	s25 =	simm.s32 $0x1B8E;
	s24 =	sld [smem:$0x3FFE];
	[sflag:s23] =	ssyncadd.s32 $0xFFFFFFFF  }
0xa8: {  	s26 =	simm.s32 $execute0_lowered;
	[smem:$0x3FD2] =	sst s25  }
0xa9: {  	s8 =	sshll.u32 s26, $0x1;
	_ =	strace $0x80000046;
	[dreg:$0x1] =	wrdreg $0xFFFFFFFF  }
0xaa: {  	s28 =	simm.s32 $_size_execute0_lowered;
	s6 =	sadd.s32 s6, s8;
	[dreg:$0x0] =	wrdreg $0x0  }
0xab: {  	s8 =	sshll.u32 s28, $0x1;
	[dreg:$0x2] =	wrdreg s6  }
0xac: {  	[dreg:$0x3] =	wrdreg s8  }
0xad: {  	[dreg:$0x4] =	wrdreg $0xC0  }
0xae: {  	_ =	task [dreg:s10], $0x5FFFF  }
0xaf: {  	[dreg:$0x1] =	wrdreg $0xFFFFFFFF  }
0xb0: {  	[dreg:$0x0] =	wrdreg $0x60  }
0xb1: {  	[dreg:$0x2] =	wrdreg s2  }
0xb2: {  	[dreg:$0x3] =	wrdreg s18  }
0xb3: {  	[dreg:$0x4] =	wrdreg s4  }
0xb4: {  	[dreg:$0x5] =	wrdreg s5  }
0xb5: {  	[dreg:$0x6] =	wrdreg s24  }
0xb6: {  	[dreg:$0x7] =	wrdreg $0x9  }
0xb7: {  	_ =	task.clear_ibuf [dreg:s10], $0x8FFFF;
	_ =	strace $0x90000046  }
0xb8: {  	s29 =	simm.s32 $0x9;
	_ =	strace $0x80000048  }
0xb9: {  	_ =	swait.ge [sflag:s29], $0x1  }
0xba: {  	[sflag:s29] =	ssyncadd.s32 $0xFFFFFFFF  }
0xbb: {  	_ =	strace $0x90000048  }
0xbc: {  	_ =	sfence  }
0xbd: {  	s30 =	sld [smem:$0x0];
	_ =	sdelay $0x2  }
0xbe: {  	s31 =	sshll.u32 s1, $0xD;
	s1 =	sshrl.u32 s1, $0x2  }
0xbf: {  	s3 =	sand.u32 $0x4000, s31;
	s1 =	sadd.s32 s1, s30  }
0xc0: {  	s0 =	sor.u32 s3, s0;
	s1 =	sshll.u32 s1, $0x11  }
0xc1: {  	s0 =	sor.u32 s1, s0  }
0xc2: {  	s0 =	sadd.s32 $0x8F2B, s0  }
0xc3: {  	[sflag:s0] =	ssyncadd.remote.s32 $0x1  }
0xc4: {  	_ =	sfence.sel $0xFFFF  }
0xc5: {  	[dreg:$0x0] =	wrdreg $0xFFFFFFFF;
	(pc) =	sbr.abs _section_cstart, $3  }
0xc6: {  	[dreg:$0x1] =	wrdreg $0xFFFFFFFF  }
0xc7: {  	_ =	task.clear_ibuf [dreg:s10], $0x2FFFF;
	_ =	strace $0x9FFFFFFF  }
0xc8: {  	(tm) =	ssettm $0x7FFFFFFF  }
0xc9: {  	_ =	shalt  }
tec
execute0_lowered:
.L_overlay_start_1:
0x0: {  	(tag) =	ssettag $0x1  }
0x1: {  	s5 =	rddreg [dreg:$0x0]  }
0x2: {  	s7 =	rddreg [dreg:$0x1]  }
0x3: {  	s1 =	rddreg [dreg:$0x2];
	s2 =	srdreg.scid  }
0x4: {  	s3 =	rddreg [dreg:$0x3];
	s0 =	stileid.u32;
	s26 =	sand.u32 $0x1, s2  }
0x5: {  	s17 =	rddreg [dreg:$0x4];
	s6 =	sshll.u32 s0, $0xA;
	s8 =	sshll.u32 s26, $0x9  }
0x6: {  	s4 =	simm.s32 $0x0;
	s2 =	rddreg [dreg:$0x5];
	s18 =	sor.u32 s8, s6  }
0x7: {  	[smem:$0x7FF] =	sst s4;
	s8 =	sshrl.u32 s18, $0x3  }
0x8: {  	_ =	strace $0x80000047;
	s6 =	sadd.s32 s5, s8;
	s5 =	simm.s32 $0x3  }
0x9: {  	[tilespmem:s4], [sflag:$0x3] =	stream.linear.gather [hbm4b:s6+s4], $0x200, $0x38;
	[tilespmem:$0x18400] =	vst v63  }
0xa: {  	_ =	swait.ge [sflag:s5], $0x200  }
0xb: {  	[sflag:s5] =	ssyncset.done $0x0  }
0xc: {  	s7 =	sadd.s32 s7, s8;
	s8 =	simm.s32 $0x200;
	[sflag:s5] =	ssyncadd.s32 $0xFFFFFE00  }
0xd: {  	[tilespmem:s8], [sflag:$0x3] =	stream.linear.gather [hbm4b:s7+s4], $0x200, $0x38;
	[tilespmem:$0x18400] =	vst v63  }
0xe: {  	_ =	swait.ge [sflag:s5], $0x200  }
0xf: {  	[sflag:s5] =	ssyncset.done $0x0  }
0x10: {  	s9 =	simm.s32 $0x80;
	s10 =	simm.s32 $0x400;
	[sflag:s5] =	ssyncadd.s32 $0xFFFFFE00  }
0x11: {  	[tilespmem:s10], [sflag:$0x1] =	stream.indirect.gather [hbm4b:s1+s9], $0x80, s4, s9, $0xb8;
	[tilespmem:$0x18400] =	vst v63  }
0x12: {  	s11 =	simm.s32 $0x4400  }
0x13: {  	[tilespmem:s11], [sflag:$0x1] =	stream.indirect.gather [hbm4b:s1+s9], $0x80, s9, s9, $0xb8;
	[tilespmem:$0x18400] =	vst v63  }
0x14: {  	s12 =	simm.s32 $0x100;
	s13 =	simm.s32 $0x8400  }
0x15: {  	[tilespmem:s13], [sflag:$0x1] =	stream.indirect.gather [hbm4b:s1+s9], $0x80, s12, s9, $0xb8;
	[tilespmem:$0x18400] =	vst v63  }
0x16: {  	s14 =	simm.s32 $0x180;
	s15 =	simm.s32 $0xC400;
	s16 =	simm.s32 $0x1  }
0x17: {  	[tilespmem:s15], [sflag:$0x1] =	stream.indirect.gather [hbm4b:s1+s9], $0x80, s14, s9, $0xb8;
	[tilespmem:$0x18400] =	vst v63  }
0x18: {  	_ =	swait.ge [sflag:s16], $0x4000  }
0x19: {  	[sflag:s16] =	ssyncset.done $0x0  }
0x1a: {  	[sflag:s16] =	ssyncadd.s32 $0xFFFFC000  }
0x1b: {  	_ =	swait.ge [sflag:s16], $0x4000  }
0x1c: {  	[sflag:s16] =	ssyncset.done $0x0  }
0x1d: {  	[sflag:s16] =	ssyncadd.s32 $0xFFFFC000  }
0x1e: {  	_ =	swait.ge [sflag:s16], $0x4000  }
0x1f: {  	[sflag:s16] =	ssyncset.done $0x0  }
0x20: {  	[sflag:s16] =	ssyncadd.s32 $0xFFFFC000  }
0x21: {  	s18 =	sshll.u32 s18, $0x5;
	_ =	swait.ge [sflag:s16], $0x4000  }
0x22: {  	s28 =	sadd.s32 s18, s17;
	[sflag:s16] =	ssyncset.done $0x0  }
0x23: {  	s18 =	simm.s32 $0x800;
	s17 =	sadd.s32 $0x2A00, s28;
	[sflag:s16] =	ssyncadd.s32 $0xFFFFC000  }
0x24: {  	[hbm4b:s17+s10] =	stream.strided.scatter [tilespmem:s10], [sflag:$0x2], $0x10000, s18, s10, $0x38;
	[tilespmem:$0x18400] =	vst v63  }
0x25: {  	s19 =	simm.s32 $0x10400  }
0x26: {  	[tilespmem:s19], [sflag:$0x1] =	stream.indirect.gather [hbm4b:s3+s9], $0x80, s8, s9, $0xb8;
	[tilespmem:$0x18400] =	vst v63  }
0x27: {  	s20 =	simm.s32 $0x280;
	s21 =	simm.s32 $0x14400  }
0x28: {  	[tilespmem:s21], [sflag:$0x1] =	stream.indirect.gather [hbm4b:s3+s9], $0x80, s20, s9, $0xb8;
	[tilespmem:$0x18400] =	vst v63  }
0x29: {  	_ =	swait.ge [sflag:s16], $0x4000  }
0x2a: {  	[sflag:s16] =	ssyncset.done $0x0  }
0x2b: {  	[sflag:s16] =	ssyncadd.s32 $0xFFFFC000  }
0x2c: {  	_ =	swait.ge [sflag:s16], $0x4000  }
0x2d: {  	[sflag:s16] =	ssyncset.done $0x0  }
0x2e: {  	s22 =	simm.s32 $0x2;
	[sflag:s16] =	ssyncadd.s32 $0xFFFFC000  }
0x2f: {  	_ =	swait.ge [sflag:s22], $0x10000  }
0x30: {  	[sflag:s22] =	ssyncset.done $0x0  }
0x31: {  	s23 =	sadd.s32 $0x2A80, s28;
	[sflag:s22] =	ssyncadd.s32 $0xFFFF0000  }
0x32: {  	[hbm4b:s23+s10] =	stream.strided.scatter [tilespmem:s19], [sflag:$0x2], $0x8000, s18, s10, $0x38;
	[tilespmem:$0x18400] =	vst v63  }
0x33: {  	s24 =	simm.s32 $0x300  }
0x34: {  	[tilespmem:s10], [sflag:$0x1] =	stream.indirect.gather [hbm4b:s3+s9], $0x80, s24, s9, $0xb8;
	[tilespmem:$0x18400] =	vst v63  }
0x35: {  	s25 =	simm.s32 $0x380  }
0x36: {  	[tilespmem:s11], [sflag:$0x1] =	stream.indirect.gather [hbm4b:s3+s9], $0x80, s25, s9, $0xb8;
	[tilespmem:$0x18400] =	vst v63  }
0x37: {  	_ =	swait.ge [sflag:s16], $0x4000  }
0x38: {  	[sflag:s16] =	ssyncset.done $0x0  }
0x39: {  	s26 =	ssub.s32 $0x2, s26;
	[sflag:s16] =	ssyncadd.s32 $0xFFFFC000  }
0x3a: {  	s29 =	sshrl.u32 s26, $0x1;
	_ =	swait.ge [sflag:s16], $0x4000  }
0x3b: {  	s29 =	ssub.s32 s26, s29;
	[sflag:s16] =	ssyncset.done $0x0  }
0x3c: {  	s26 =	sadd.s32 $0x4A80, s28;
	s28 =	smax.u32 s29, $0x1;
	[sflag:s16] =	ssyncadd.s32 $0xFFFFC000  }
0x3d: {  	p0 =	sne.s32 s28, $0x1;
	_ =	swait.ge [sflag:s22], $0x8000  }
.Ltmp0:
0x3e: {  	[sflag:s22] =	ssyncset.done $0x0;
	(pc) =	sbr.rel @!p0 .LBB2_2-.Ltmp0, $4  }
0x3f: {  	[sflag:s22] =	ssyncadd.s32 $0xFFFF8000  }
0x40: {  	[hbm4b:s26+s10] =	stream.strided.scatter [tilespmem:s10], [sflag:$0x3], $0x8000, s18, s10, $0x38;
	[tilespmem:$0x18400] =	vst v63  }
0x41: {  	_ =	swait.ge [sflag:s5], $0x8000  }
0x42: {  	s28 =	sadd.s32 $0xFFFFFFFF, s28;
	[sflag:s5] =	ssyncset.done $0x0  }
.LBB2_1:
0x43: {  	p0 =	sne.s32 s28, $0x1;
	s28 =	sadd.s32 $0xFFFFFFFF, s28;
	[sflag:s5] =	ssyncadd.s32 $0xFFFF8000  }
0x44: {  	[tilespmem:s4], [sflag:$0x3] =	stream.linear.gather [hbm4b:s6+s4], $0x200, $0x38;
	[tilespmem:$0x18400] =	vst v63  }
0x45: {  	_ =	swait.ge [sflag:s5], $0x200  }
0x46: {  	[sflag:s5] =	ssyncset.done $0x0  }
0x47: {  	[sflag:s5] =	ssyncadd.s32 $0xFFFFFE00  }
0x48: {  	[tilespmem:s8], [sflag:$0x3] =	stream.linear.gather [hbm4b:s7+s4], $0x200, $0x38;
	[tilespmem:$0x18400] =	vst v63  }
0x49: {  	_ =	swait.ge [sflag:s5], $0x200  }
0x4a: {  	[sflag:s5] =	ssyncset.done $0x0  }
0x4b: {  	[sflag:s5] =	ssyncadd.s32 $0xFFFFFE00  }
0x4c: {  	[tilespmem:s10], [sflag:$0x1] =	stream.indirect.gather [hbm4b:s1+s9], $0x80, s4, s9, $0xb8;
	[tilespmem:$0x18400] =	vst v63  }
0x4d: {  	_ = 	snop  }
0x4e: {  	[tilespmem:s11], [sflag:$0x1] =	stream.indirect.gather [hbm4b:s1+s9], $0x80, s9, s9, $0xb8;
	[tilespmem:$0x18400] =	vst v63  }
0x4f: {  	_ = 	snop  }
0x50: {  	[tilespmem:s13], [sflag:$0x1] =	stream.indirect.gather [hbm4b:s1+s9], $0x80, s12, s9, $0xb8;
	[tilespmem:$0x18400] =	vst v63  }
0x51: {  	_ = 	snop  }
0x52: {  	[tilespmem:s15], [sflag:$0x1] =	stream.indirect.gather [hbm4b:s1+s9], $0x80, s14, s9, $0xb8;
	[tilespmem:$0x18400] =	vst v63  }
0x53: {  	_ =	swait.ge [sflag:s16], $0x4000  }
0x54: {  	[sflag:s16] =	ssyncset.done $0x0  }
0x55: {  	[sflag:s16] =	ssyncadd.s32 $0xFFFFC000  }
0x56: {  	_ =	swait.ge [sflag:s16], $0x4000  }
0x57: {  	[sflag:s16] =	ssyncset.done $0x0  }
0x58: {  	[sflag:s16] =	ssyncadd.s32 $0xFFFFC000  }
0x59: {  	_ =	swait.ge [sflag:s16], $0x4000  }
0x5a: {  	[sflag:s16] =	ssyncset.done $0x0  }
0x5b: {  	[sflag:s16] =	ssyncadd.s32 $0xFFFFC000  }
0x5c: {  	_ =	swait.ge [sflag:s16], $0x4000  }
0x5d: {  	[sflag:s16] =	ssyncset.done $0x0  }
0x5e: {  	[sflag:s16] =	ssyncadd.s32 $0xFFFFC000  }
0x5f: {  	[hbm4b:s17+s10] =	stream.strided.scatter [tilespmem:s10], [sflag:$0x2], $0x10000, s18, s10, $0x38;
	[tilespmem:$0x18400] =	vst v63  }
0x60: {  	_ = 	snop  }
0x61: {  	[tilespmem:s19], [sflag:$0x1] =	stream.indirect.gather [hbm4b:s3+s9], $0x80, s8, s9, $0xb8;
	[tilespmem:$0x18400] =	vst v63  }
0x62: {  	_ = 	snop  }
0x63: {  	[tilespmem:s21], [sflag:$0x1] =	stream.indirect.gather [hbm4b:s3+s9], $0x80, s20, s9, $0xb8;
	[tilespmem:$0x18400] =	vst v63  }
0x64: {  	_ =	swait.ge [sflag:s16], $0x4000  }
0x65: {  	[sflag:s16] =	ssyncset.done $0x0  }
0x66: {  	[sflag:s16] =	ssyncadd.s32 $0xFFFFC000  }
0x67: {  	_ =	swait.ge [sflag:s16], $0x4000  }
0x68: {  	[sflag:s16] =	ssyncset.done $0x0  }
0x69: {  	[sflag:s16] =	ssyncadd.s32 $0xFFFFC000  }
0x6a: {  	_ =	swait.ge [sflag:s22], $0x10000  }
0x6b: {  	[sflag:s22] =	ssyncset.done $0x0  }
0x6c: {  	[sflag:s22] =	ssyncadd.s32 $0xFFFF0000  }
0x6d: {  	[hbm4b:s23+s10] =	stream.strided.scatter [tilespmem:s19], [sflag:$0x2], $0x8000, s18, s10, $0x38;
	[tilespmem:$0x18400] =	vst v63  }
0x6e: {  	_ = 	snop  }
0x6f: {  	[tilespmem:s10], [sflag:$0x1] =	stream.indirect.gather [hbm4b:s3+s9], $0x80, s24, s9, $0xb8;
	[tilespmem:$0x18400] =	vst v63  }
0x70: {  	_ = 	snop  }
0x71: {  	[tilespmem:s11], [sflag:$0x1] =	stream.indirect.gather [hbm4b:s3+s9], $0x80, s25, s9, $0xb8;
	[tilespmem:$0x18400] =	vst v63  }
0x72: {  	_ =	swait.ge [sflag:s16], $0x4000  }
0x73: {  	[sflag:s16] =	ssyncset.done $0x0  }
0x74: {  	[sflag:s16] =	ssyncadd.s32 $0xFFFFC000  }
0x75: {  	_ =	swait.ge [sflag:s16], $0x4000  }
0x76: {  	[sflag:s16] =	ssyncset.done $0x0  }
0x77: {  	[sflag:s16] =	ssyncadd.s32 $0xFFFFC000  }
0x78: {  	_ =	swait.ge [sflag:s22], $0x8000  }
.Ltmp1:
0x79: {  	[sflag:s22] =	ssyncset.done $0x0;
	(pc) =	sbr.rel @p0 .LBB2_1-.Ltmp1, $4  }
0x7a: {  	[sflag:s22] =	ssyncadd.s32 $0xFFFF8000  }
0x7b: {  	[hbm4b:s26+s10] =	stream.strided.scatter [tilespmem:s10], [sflag:$0x3], $0x8000, s18, s10, $0x38;
	[tilespmem:$0x18400] =	vst v63  }
0x7c: {  	_ =	swait.ge [sflag:s5], $0x8000  }
0x7d: {  	[sflag:s5] =	ssyncset.done $0x0  }
.LBB2_2:
0x7e: {  	[sflag:s5] =	ssyncadd.s32 $0xFFFF8000  }
0x7f: {  	_ =	sfence.sel $0x180000  }
0x80: {  	[bflag:$0x0] =	sbarrier.arrive $0xFFFF  }
0x81: {  	p0 =	sne.s32 s0, $0x0;
	_ =	strace $0x90000047  }
0x82: {  	s0 =	sadd.s32 @!p0 $0x100000, s2;
	[bflag:$0x2] =	sbarrier.arrive $0xFFFF  }
0x83: {  	[sflag:s0] =	ssyncadd.tile.s32 @!p0 $0x1;
	_ =	shalt  }
.Lfunc_end2:
_tile_overlayer_lowered:
.L_overlay_start_2:
0x84: {  	(tag) =	ssettag $0x2  }
0x85: {  	s0 =	rddreg [dreg:$0x0];
	s2 =	stileid.u32  }
0x86: {  	s1 =	rddreg [dreg:$0x1];
	p0 =	sne.s32 s2, $0x0  }
0x87: {  	s3 =	rddreg [dreg:$0x2];
	[bflag:$0x3] =	sbarrier.arrive $0xFFFF;
	s2 =	simm.s32 @!p0 $0x1C03  }
0x88: {  	[timem:s3], [sflag:s2] =	dma.local @!p0 [hbm:s0], s1  }
0x89: {  	s0 =	simm.s32 @!p0 $0x3  }
0x8a: {  	_ =	swait.ge @!p0 [sflag:s0], s1  }
0x8b: {  	s1 =	ssub.s32 @!p0 $0x0, s1;
	[sflag:s0] =	ssyncset.done @!p0 $0x0  }
0x8c: {  	[sflag:s0] =	ssyncadd.s32 @!p0 s1  }
0x8d: {  	[bflag:$0x3] =	sbarrier.arrive $0xFFFF  }
0x8e: {  	_ =	shalt  }

</sc_bundles>
